<compile_context>
chip_gen: v7x
topology: tpu7x:2x2x1
jax: 0.10.2.dev20260603
libtpu: 0.0.44.dev20260713+nightly
codegen_flags: <defaults>
</compile_context>

<pallas_src>
import functools

import jax
import jax.numpy as jnp
from jax import lax
from jax.experimental import pallas as pl
from jax.experimental.pallas import tpu as pltpu
from jax.experimental.pallas import tpu_sc as plsc

TIMESTEPS = 1000
D = 64 * 64
B = 1024

NC = 2
NS = 16
NW = NC * NS
B_PER_W = B // NW
CHUNK = 16
NCHUNK = B_PER_W // CHUNK

_mesh = plsc.VectorSubcoreMesh(core_axis_name="c", subcore_axis_name="s")


@functools.partial(
    pl.kernel,
    out_type=jax.ShapeDtypeStruct((B, D), jnp.float32),
    mesh=_mesh,
    scratch_types=[
        pltpu.VMEM((B_PER_W,), jnp.int32),
        pltpu.VMEM((CHUNK, D), jnp.float32),
        pltpu.SemaphoreType.DMA,
    ],
)
def _gather_rows(idx_hbm, table_hbm, out_hbm, idx_v, rows_v, sem):
    wid = lax.axis_index("s") * NC + lax.axis_index("c")
    base = wid * B_PER_W
    pltpu.sync_copy(idx_hbm.at[pl.ds(base, B_PER_W)], idx_v)
    for c in range(NCHUNK):
        pltpu.async_copy(
            table_hbm.at[idx_v.at[pl.ds(c * CHUNK, CHUNK)]], rows_v, sem
        ).wait()
        pltpu.sync_copy(rows_v, out_hbm.at[pl.ds(base + c * CHUNK, CHUNK)])


RB = 128


def _transpose_body(tmp_ref, out_ref):
    x = tmp_ref[...]
    y = x.reshape(RB, 64, 64)
    out_ref[...] = jnp.transpose(y, (1, 2, 0))[None]


_transpose = pl.pallas_call(
    _transpose_body,
    grid=(B // RB,),
    in_specs=[pl.BlockSpec((RB, D), lambda i: (i, 0))],
    out_specs=pl.BlockSpec((1, 64, 64, RB), lambda i: (0, 0, 0, i)),
    out_shape=jax.ShapeDtypeStruct((1, 64, 64, B), jnp.float32),
)


def kernel(t, pos_embedding):
    rows = _gather_rows(t.astype(jnp.int32), pos_embedding)
    y = _transpose(rows)
    return jnp.transpose(y, (3, 0, 1, 2))

# --- scband reference (transcript-rebuilt; emitter-appended) ---
"""Pipeline reference for scband-time-embedding-16398185136500 (READ-ONLY COPY).

The authoritative reference and input builder live on the scoring server;
editing this copy changes nothing except your own understanding.
"""

import jax, jax.numpy as jnp
import numpy as np

TIMESTEPS = 1000
SIZE = (64, 64)
BATCH = 1024

def setup_inputs(seed: int = 0) -> dict:
    key = jax.random.key(seed)
    k_t, k_w = jax.random.split(key)
    t = jax.random.randint(k_t, (BATCH,), 0, TIMESTEPS, dtype=jnp.int64 if jax.config.jax_enable_x64 else jnp.int32)
    # learned embedding table: [timesteps, H*W], init like nn.Embedding (N(0,1))
    pos_embedding = jax.random.normal(k_w, (TIMESTEPS, SIZE[0] * SIZE[1]), dtype=jnp.float32)
    return {"t": t, "pos_embedding": pos_embedding}

def reference(t, pos_embedding):
    # t_emb = self.pos_embedding(t)
    t_emb = jnp.take(pos_embedding, t, axis=0)           # [B, H*W] gather
    # t_emb = t_emb.view(B, H, W).unsqueeze(1)
    t_emb = t_emb.reshape(t_emb.shape[0], SIZE[0], SIZE[1])[:, None, :, :]  # [B, 1, H, W]
    assert t_emb.ndim == 4 and t_emb.shape[1] == 1
    return t_emb

if __name__ == "__main__":
    import jax
    _d = setup_inputs()
    print(jax.jit(kernel)(*tuple(_d.values())))

</pallas_src>

<mosaic_0001>
#map = affine_map<(d0, d1) -> (0)>
#map1 = affine_map<(d0, d1) -> (0, 0)>
module attributes {stable_mosaic.version = 14 : i64} {
  func.func @_gather_rows(%arg0: i32, %arg1: i32, %arg2: memref<1024xi32, #tpu.memory_space<hbm>>, %arg3: memref<1000x4096xf32, #tpu.memory_space<hbm>>, %arg4: memref<1024x4096xf32, #tpu.memory_space<hbm>>, %arg5: memref<32xi32, #tpu.memory_space<vmem>>, %arg6: memref<16x4096xf32, #tpu.memory_space<vmem>>, %arg7: memref<!tpu.dma_semaphore, #tpu.memory_space<semaphore_mem>>) attributes {dimension_semantics = [#tpu.dimension_semantics<core_parallel>, #tpu.dimension_semantics<subcore_parallel>], iteration_bounds = array<i64: 2, 16>, scalar_prefetch = 0 : i64, scratch_operands = 3 : i64, tpu.core_type = #tpu.core_type<sc_vector_subcore>, window_params = [{transform_indices = #map}, {transform_indices = #map1}, {transform_indices = #map1}]} {
    %mul3A = arith.constant 2 : i32
    %mul3A_0 = arith.muli %arg1, %mul3A : i32
    %add3A = arith.addi %mul3A_0, %arg0 : i32
    %mul3A_1 = arith.constant 32 : i32
    %mul3A_2 = arith.muli %add3A, %mul3A_1 : i32
    "tpu.region"() ({
      %run_scoped3A = tpu.sem_alloc : memref<!tpu.dma_semaphore, #tpu.memory_space<semaphore_mem>>
      %dma_start3A_25 = tpu.memref_slice %arg2[%mul3A_2] : memref<1024xi32, #tpu.memory_space<hbm>> -> memref<32xi32, #tpu.memory_space<hbm>>
      %dma_start3A_26 = tpu.memref_slice %arg2[%mul3A_2] : memref<1024xi32, #tpu.memory_space<hbm>> -> memref<32xi32, #tpu.memory_space<hbm>>
      tpu.enqueue_dma source(%dma_start3A_26 : memref<32xi32, #tpu.memory_space<hbm>>) target(%arg5 : memref<32xi32, #tpu.memory_space<vmem>>) target_semaphore(%run_scoped3A : memref<!tpu.dma_semaphore, #tpu.memory_space<semaphore_mem>>)
      %dma_wait3A_27 = tpu.memref_slice %arg2[%mul3A_2] : memref<1024xi32, #tpu.memory_space<hbm>> -> memref<32xi32, #tpu.memory_space<hbm>>
      %dma_wait3A_28 = tpu.memref_slice %arg2[%mul3A_2] : memref<1024xi32, #tpu.memory_space<hbm>> -> memref<32xi32, #tpu.memory_space<hbm>>
      tpu.wait_dma2 semaphore(%run_scoped3A : memref<!tpu.dma_semaphore, #tpu.memory_space<semaphore_mem>>) src(%dma_wait3A_28 : memref<32xi32, #tpu.memory_space<hbm>>) dst(%arg5 : memref<32xi32, #tpu.memory_space<vmem>>)
      tpu.yield
    }) : () -> ()
    %dma_start3A = arith.constant 0 : i32
    %dma_start3A_3 = tpu.memref_slice %arg5[%dma_start3A] : memref<32xi32, #tpu.memory_space<vmem>> -> memref<16xi32, #tpu.memory_space<vmem>>
    %dma_start3A_4 = arith.constant 0 : i32
    %dma_start3A_5 = arith.constant 0 : i32
    %dma_start3A_6 = tpu.memref_slice %arg3[%dma_start3A_4, %dma_start3A_5] : memref<1000x4096xf32, #tpu.memory_space<hbm>> -> memref<1000x4096xf32, #tpu.memory_space<hbm>>
    tpu.enqueue_indirect_dma source(%dma_start3A_6 : memref<1000x4096xf32, #tpu.memory_space<hbm>>) target(%arg6 : memref<16x4096xf32, #tpu.memory_space<vmem>>) offsets(%dma_start3A_3 : memref<16xi32, #tpu.memory_space<vmem>>) semaphore(%arg7 : memref<!tpu.dma_semaphore, #tpu.memory_space<semaphore_mem>>)
    %dma_wait3A = arith.constant 0 : i32
    %dma_wait3A_7 = tpu.memref_slice %arg5[%dma_wait3A] : memref<32xi32, #tpu.memory_space<vmem>> -> memref<16xi32, #tpu.memory_space<vmem>>
    %dma_wait3A_8 = arith.constant 0 : i32
    %dma_wait3A_9 = arith.constant 0 : i32
    %dma_wait3A_10 = tpu.memref_slice %arg3[%dma_wait3A_8, %dma_wait3A_9] : memref<1000x4096xf32, #tpu.memory_space<hbm>> -> memref<1000x4096xf32, #tpu.memory_space<hbm>>
    tpu.wait_indirect_dma semaphore(%arg7 : memref<!tpu.dma_semaphore, #tpu.memory_space<semaphore_mem>>) src(%dma_wait3A_10 : memref<1000x4096xf32, #tpu.memory_space<hbm>>) dst(%arg6 : memref<16x4096xf32, #tpu.memory_space<vmem>>)
    %add3A_11 = arith.constant 0 : i32
    %add3A_12 = arith.addi %mul3A_2, %add3A_11 : i32
    "tpu.region"() ({
      %run_scoped3A = tpu.sem_alloc : memref<!tpu.dma_semaphore, #tpu.memory_space<semaphore_mem>>
      %dma_start3A_25 = arith.constant 0 : i32
      %dma_start3A_26 = tpu.memref_slice %arg4[%add3A_12, %dma_start3A_25] : memref<1024x4096xf32, #tpu.memory_space<hbm>> -> memref<16x4096xf32, #tpu.memory_space<hbm>>
      %dma_start3A_27 = arith.constant 0 : i32
      %dma_start3A_28 = tpu.memref_slice %arg4[%add3A_12, %dma_start3A_27] : memref<1024x4096xf32, #tpu.memory_space<hbm>> -> memref<16x4096xf32, #tpu.memory_space<hbm>>
      tpu.enqueue_dma source(%arg6 : memref<16x4096xf32, #tpu.memory_space<vmem>>) target(%dma_start3A_28 : memref<16x4096xf32, #tpu.memory_space<hbm>>) target_semaphore(%run_scoped3A : memref<!tpu.dma_semaphore, #tpu.memory_space<semaphore_mem>>)
      %dma_wait3A_29 = arith.constant 0 : i32
      %dma_wait3A_30 = tpu.memref_slice %arg4[%add3A_12, %dma_wait3A_29] : memref<1024x4096xf32, #tpu.memory_space<hbm>> -> memref<16x4096xf32, #tpu.memory_space<hbm>>
      %dma_wait3A_31 = arith.constant 0 : i32
      %dma_wait3A_32 = tpu.memref_slice %arg4[%add3A_12, %dma_wait3A_31] : memref<1024x4096xf32, #tpu.memory_space<hbm>> -> memref<16x4096xf32, #tpu.memory_space<hbm>>
      tpu.wait_dma2 semaphore(%run_scoped3A : memref<!tpu.dma_semaphore, #tpu.memory_space<semaphore_mem>>) src(%arg6 : memref<16x4096xf32, #tpu.memory_space<vmem>>) dst(%dma_wait3A_32 : memref<16x4096xf32, #tpu.memory_space<hbm>>)
      tpu.yield
    }) : () -> ()
    %dma_start3A_13 = arith.constant 16 : i32
    %dma_start3A_14 = tpu.memref_slice %arg5[%dma_start3A_13] : memref<32xi32, #tpu.memory_space<vmem>> -> memref<16xi32, #tpu.memory_space<vmem>>
    %dma_start3A_15 = arith.constant 0 : i32
    %dma_start3A_16 = arith.constant 0 : i32
    %dma_start3A_17 = tpu.memref_slice %arg3[%dma_start3A_15, %dma_start3A_16] : memref<1000x4096xf32, #tpu.memory_space<hbm>> -> memref<1000x4096xf32, #tpu.memory_space<hbm>>
    tpu.enqueue_indirect_dma source(%dma_start3A_17 : memref<1000x4096xf32, #tpu.memory_space<hbm>>) target(%arg6 : memref<16x4096xf32, #tpu.memory_space<vmem>>) offsets(%dma_start3A_14 : memref<16xi32, #tpu.memory_space<vmem>>) semaphore(%arg7 : memref<!tpu.dma_semaphore, #tpu.memory_space<semaphore_mem>>)
    %dma_wait3A_18 = arith.constant 16 : i32
    %dma_wait3A_19 = tpu.memref_slice %arg5[%dma_wait3A_18] : memref<32xi32, #tpu.memory_space<vmem>> -> memref<16xi32, #tpu.memory_space<vmem>>
    %dma_wait3A_20 = arith.constant 0 : i32
    %dma_wait3A_21 = arith.constant 0 : i32
    %dma_wait3A_22 = tpu.memref_slice %arg3[%dma_wait3A_20, %dma_wait3A_21] : memref<1000x4096xf32, #tpu.memory_space<hbm>> -> memref<1000x4096xf32, #tpu.memory_space<hbm>>
    tpu.wait_indirect_dma semaphore(%arg7 : memref<!tpu.dma_semaphore, #tpu.memory_space<semaphore_mem>>) src(%dma_wait3A_22 : memref<1000x4096xf32, #tpu.memory_space<hbm>>) dst(%arg6 : memref<16x4096xf32, #tpu.memory_space<vmem>>)
    %add3A_23 = arith.constant 16 : i32
    %add3A_24 = arith.addi %mul3A_2, %add3A_23 : i32
    "tpu.region"() ({
      %run_scoped3A = tpu.sem_alloc : memref<!tpu.dma_semaphore, #tpu.memory_space<semaphore_mem>>
      %dma_start3A_25 = arith.constant 0 : i32
      %dma_start3A_26 = tpu.memref_slice %arg4[%add3A_24, %dma_start3A_25] : memref<1024x4096xf32, #tpu.memory_space<hbm>> -> memref<16x4096xf32, #tpu.memory_space<hbm>>
      %dma_start3A_27 = arith.constant 0 : i32
      %dma_start3A_28 = tpu.memref_slice %arg4[%add3A_24, %dma_start3A_27] : memref<1024x4096xf32, #tpu.memory_space<hbm>> -> memref<16x4096xf32, #tpu.memory_space<hbm>>
      tpu.enqueue_dma source(%arg6 : memref<16x4096xf32, #tpu.memory_space<vmem>>) target(%dma_start3A_28 : memref<16x4096xf32, #tpu.memory_space<hbm>>) target_semaphore(%run_scoped3A : memref<!tpu.dma_semaphore, #tpu.memory_space<semaphore_mem>>)
      %dma_wait3A_29 = arith.constant 0 : i32
      %dma_wait3A_30 = tpu.memref_slice %arg4[%add3A_24, %dma_wait3A_29] : memref<1024x4096xf32, #tpu.memory_space<hbm>> -> memref<16x4096xf32, #tpu.memory_space<hbm>>
      %dma_wait3A_31 = arith.constant 0 : i32
      %dma_wait3A_32 = tpu.memref_slice %arg4[%add3A_24, %dma_wait3A_31] : memref<1024x4096xf32, #tpu.memory_space<hbm>> -> memref<16x4096xf32, #tpu.memory_space<hbm>>
      tpu.wait_dma2 semaphore(%run_scoped3A : memref<!tpu.dma_semaphore, #tpu.memory_space<semaphore_mem>>) src(%arg6 : memref<16x4096xf32, #tpu.memory_space<vmem>>) dst(%dma_wait3A_32 : memref<16x4096xf32, #tpu.memory_space<hbm>>)
      tpu.yield
    }) : () -> ()
    return
  }
}

module attributes {stable_mosaic.version = 14 : i64} {
  func.func @_transpose_body(%arg0: i32, %arg1: memref<128x4096xf32, #tpu.memory_space<vmem>>, %arg2: memref<1x64x64x128xf32, #tpu.memory_space<vmem>>) attributes {dimension_semantics = [#tpu.dimension_semantics<arbitrary>], iteration_bounds = array<i64: 8>, scalar_prefetch = 0 : i64, scratch_operands = 0 : i64, tpu.core_type = #tpu.core_type<tc>, window_params = [{transform_indices = @transform_0, window_bounds = array<i64: 128, 4096>}, {transform_indices = @transform_1, window_bounds = array<i64: 1, 64, 64, 128>}]} {
    %get3A = arith.constant 0 : index
    %get3A_0 = arith.constant 0 : index
    %get3A_1 = vector.load %arg1[%get3A, %get3A_0] : memref<128x4096xf32, #tpu.memory_space<vmem>>, vector<128x4096xf32>
    %reshape3A = vector.shape_cast %get3A_1 : vector<128x4096xf32> to vector<128x64x64xf32>
    %transpose3A = tpu.transpose %reshape3A, [1, 2, 0] : vector<128x64x64xf32> -> vector<64x64x128xf32>
    %broadcast_in_dim3A = vector.shape_cast %transpose3A : vector<64x64x128xf32> to vector<1x64x64x128xf32>
    %swap3A = arith.constant 0 : index
    %swap3A_2 = arith.constant 0 : index
    %swap3A_3 = arith.constant 0 : index
    %swap3A_4 = arith.constant 0 : index
    %swap3A_5 = vector.load %arg2[%swap3A, %swap3A_2, %swap3A_3, %swap3A_4] : memref<1x64x64x128xf32, #tpu.memory_space<vmem>>, vector<1x64x64x128xf32>
    tpu.vector_store %arg2[%swap3A, %swap3A_2, %swap3A_3, %swap3A_4], %broadcast_in_dim3A {strides = array<i32>} : memref<1x64x64x128xf32, #tpu.memory_space<vmem>>, vector<1x64x64x128xf32>,
    return
  }
  func.func @transform_0(%arg0: i32) -> (i32, i32) {
    %c0_i32 = arith.constant 0 : i32
    %c0_i32_0 = arith.constant 0 : i32
    return %arg0, %c0_i32 : i32, i32
  }
  func.func @transform_1(%arg0: i32) -> (i32, i32, i32, i32) {
    %c0_i32 = arith.constant 0 : i32
    %c0_i32_0 = arith.constant 0 : i32
    %c0_i32_1 = arith.constant 0 : i32
    %c0_i32_2 = arith.constant 0 : i32
    return %c0_i32, %c0_i32_0, %c0_i32_1, %arg0 : i32, i32, i32, i32
  }
}

</mosaic_0001>

<sc_bundles>
// kernel: kernel.4.cloned.1.call-start
scs
__scs_entry_jumppad:
0x0: {  	(pc) =	sbr.rel $0x88, $3  }
0x1: {  	(tag) =	ssettag $0x0;
	lr =	simm.s32 $0x1  }
0x2: {  	[smem:$0x3F9F] =	sst lr;
	_ =	strace $0xD0000000  }
0x3: {  	_ = 	snop  }
0x4: {  	_ = 	snop  }
0x5: {  	_ = 	snop  }
0x6: {  	_ = 	snop  }
0x7: {  	_ = 	snop  }
__scs_overlays_trampoline_lowered:
0x8: {  	[smem:$0x3FAE] =	sst s0  }
0x9: {  	[smem:$0x3FAF] =	sst s1  }
0xa: {  	[smem:$0x3FB0] =	sst s2  }
0xb: {  	[smem:$0x3FB1] =	sst s3  }
0xc: {  	[smem:$0x3FB2] =	sst s4  }
0xd: {  	[smem:$0x3FB3] =	sst s5  }
0xe: {  	[smem:$0x3FB4] =	sst s6  }
0xf: {  	[smem:$0x3FB5] =	sst s7  }
0x10: {  	[smem:$0x3FB6] =	sst s8  }
0x11: {  	[smem:$0x3FB7] =	sst s9;
	s0 =	simm.s32 @!p0 $0x0  }
0x12: {  	s1 =	sld [smem:$0x3F9D];
	s0 =	simm.s32 @p0 $0x1  }
0x13: {  	[smem:$0x3FB8] =	sst s0;
	s0 =	simm.s32 @!p1 $0x0  }
0x14: {  	s2 =	sld [smem:$0x3F9C];
	s0 =	simm.s32 @p1 $0x1  }
0x15: {  	[smem:$0x3FB9] =	sst s0;
	s0 =	simm.s32 @!p2 $0x0  }
0x16: {  	s3 =	sld [smem:$0x3FDB];
	s0 =	simm.s32 @p2 $0x1  }
0x17: {  	s4 =	simm.s32 $0x1BF5;
	[smem:$0x3FBB] =	sst s0  }
0x18: {  	s0 =	sld [smem:$0x3F9E];
	_ =	swait.ge [sflag:s4], $0x0  }
0x19: {  	s7 =	sld [smem:$0x3F9F]  }
0x1a: {  	s8 =	sadd.s32 $0xFFFFE003, lr  }
0x1b: {  	s9 =	sadd.s32 $0xFFFFFEF7, lr;
	s5 =	simm.s32 $0xFFFFFFFF;
	p2 =	slt.u32 s8, $0xFFFFF086  }
0x1c: {  	p1 =	slt.u32 s9, $0xF7A;
	s5 =	simm.s32 @!p2 $0x0  }
0x1d: {  	s5 =	simm.s32 @p1 $0x1;
	p0 =	seq.s32 s7, s2  }
0x1e: {  	s7 =	smul.u32 @!p0 $0xF7A, s2;
	p2 =	seq.s32 @!p0 s5, $0x0  }
0x1f: {  	s9 =	smul.u32 $0xF7A, s1;
	s8 =	simm.s32 @!p0 $0x1BF5;
	p2 =	por !p2, p0  }
0x20: {  	[sflag:s8] =	ssyncset.s32 @!p0 $0xFFFFF086;
	s6 =	sadd.s32 @!p0 s3, s7;
	s7 =	simm.s32 @!p0 $0x108  }
0x21: {  	s3 =	sadd.s32 s3, s9;
	s6 =	sadd.s32 @!p0 $0x88, s6;
	s7 =	simm.s32 @p2 $0x1082  }
0x22: {  	[simem:s7], [sflag:s8] =	dma.local @!p0 [hbm:s6], $0xF7A  }
0x23: {  	s9 =	sor.u32 $0xD0000000, s2;
	s6 =	simm.s32 $0x108;
	_ =	swait.ge @!p0 [sflag:s8], $0x0  }
0x24: {  	s3 =	sadd.s32 $0x88, s3;
	s6 =	simm.s32 @!p1 $0x1082;
	[sflag:s4] =	ssyncset.s32 $0xFFFFF086  }
0x25: {  	[simem:s6], [sflag:s4] =	dma.local [hbm:s3], $0xF7A  }
0x26: {  	[smem:$0x3F9F] =	sst s1;
	(tag) =	ssettag s2;
	_ =	strace s9  }
0x27: {  	s1 =	sld [smem:$0x3FAF]  }
0x28: {  	s2 =	sld [smem:$0x3FB0]  }
0x29: {  	s4 =	sld [smem:$0x3FB2]  }
0x2a: {  	p0 =	seq.s32 s5, $0x0;
	s5 =	sld [smem:$0x3FB3]  }
0x2b: {  	s6 =	sld [smem:$0x3FB4]  }
0x2c: {  	s7 =	sld [smem:$0x3FB5]  }
0x2d: {  	s3 =	simm.s32 $0x108;
	s8 =	sld [smem:$0x3FB6]  }
0x2e: {  	s3 =	simm.s32 @!p0 $0x1082;
	s9 =	sld [smem:$0x3FB7]  }
0x2f: {  	lr =	sadd.s32 s0, s3;
	s0 =	sld [smem:$0x3FAE]  }
0x30: {  	s3 =	sld [smem:$0x3FB1]  }
0x31: {  	[smem:$0x3FBA] =	sst s10  }
0x32: {  	s10 =	sld [smem:$0x3FB8];
	_ =	sdelay $0x3  }
0x33: {  	p0 =	seq.s32 s10, $0x1;
	s10 =	sld [smem:$0x3FBA];
	_ =	sdelay $0x3  }
0x34: {  	[smem:$0x3FBA] =	sst s10  }
0x35: {  	s10 =	sld [smem:$0x3FB9];
	_ =	sdelay $0x3  }
0x36: {  	p1 =	seq.s32 s10, $0x1;
	s10 =	sld [smem:$0x3FBA];
	_ =	sdelay $0x3  }
0x37: {  	[smem:$0x3FBA] =	sst s10  }
0x38: {  	s10 =	sld [smem:$0x3FBB]  }
0x39: {  	_ = 	snop;
	(pc) =	sbr.ind lr, $3  }
0x3a: {  	_ = 	snop  }
0x3b: {  	_ = 	snop  }
0x3c: {  	p2 =	seq.s32 s10, $0x1;
	s10 =	sld [smem:$0x3FBA]  }
0x3d: {  	_ =	shalt  }
0x3e: {  	_ =	shalt  }
0x3f: {  	_ =	shalt  }
0x40: {  	_ =	shalt  }
0x41: {  	_ =	shalt  }
0x42: {  	_ =	shalt  }
0x43: {  	_ =	shalt  }
0x44: {  	_ =	shalt  }
0x45: {  	_ =	shalt  }
0x46: {  	_ =	shalt  }
0x47: {  	_ =	shalt  }
0x48: {  	_ =	shalt  }
0x49: {  	_ =	shalt  }
0x4a: {  	_ =	shalt  }
0x4b: {  	_ =	shalt  }
0x4c: {  	_ =	shalt  }
0x4d: {  	_ =	shalt  }
0x4e: {  	_ =	shalt  }
0x4f: {  	_ =	shalt  }
0x50: {  	_ =	shalt  }
0x51: {  	_ =	shalt  }
0x52: {  	_ =	shalt  }
0x53: {  	_ =	shalt  }
0x54: {  	_ =	shalt  }
0x55: {  	_ =	shalt  }
0x56: {  	_ =	shalt  }
0x57: {  	_ =	shalt  }
0x58: {  	_ =	shalt  }
0x59: {  	_ =	shalt  }
0x5a: {  	_ =	shalt  }
0x5b: {  	_ =	shalt  }
0x5c: {  	_ =	shalt  }
0x5d: {  	_ =	shalt  }
0x5e: {  	_ =	shalt  }
0x5f: {  	_ =	shalt  }
0x60: {  	_ =	shalt  }
0x61: {  	_ =	shalt  }
0x62: {  	_ =	shalt  }
0x63: {  	_ =	shalt  }
0x64: {  	_ =	shalt  }
0x65: {  	_ =	shalt  }
0x66: {  	_ =	shalt  }
0x67: {  	_ =	shalt  }
0x68: {  	_ =	shalt  }
0x69: {  	_ =	shalt  }
0x6a: {  	_ =	shalt  }
0x6b: {  	_ =	shalt  }
0x6c: {  	_ =	shalt  }
0x6d: {  	_ =	shalt  }
0x6e: {  	_ =	shalt  }
0x6f: {  	_ =	shalt  }
0x70: {  	_ =	shalt  }
0x71: {  	_ =	shalt  }
0x72: {  	_ =	shalt  }
0x73: {  	_ =	shalt  }
0x74: {  	_ =	shalt  }
0x75: {  	_ =	shalt  }
0x76: {  	_ =	shalt  }
0x77: {  	_ =	shalt  }
0x78: {  	_ =	shalt  }
0x79: {  	_ =	shalt  }
0x7a: {  	_ =	shalt  }
0x7b: {  	_ =	shalt  }
0x7c: {  	_ =	shalt  }
0x7d: {  	_ =	shalt  }
0x7e: {  	_ =	shalt  }
0x7f: {  	_ =	shalt  }
0x80: {  	_ =	shalt  }
0x81: {  	_ =	shalt  }
0x82: {  	_ =	shalt  }
0x83: {  	_ =	shalt  }
0x84: {  	_ =	shalt  }
0x85: {  	_ =	shalt  }
0x86: {  	_ =	shalt  }
0x87: {  	_ =	shalt  }
.Lfunc_end0:
.L_simem_size_0:
called_computation_lowered:
.L_overlay_start_0:
0x88: {  	s2 =	sld [smem:$0x3FD9]  }
0x89: {  	s3 =	sld [smem:$0x3FFE];
	_ =	sdelay $0x1  }
0x8a: {  	s1 =	srdreg.scid  }
0x8b: {  	s0 =	sand.u32 $0x1, s1  }
0x8c: {  	s18 =	sshll.u32 s0, $0xA;
	s2 =	sadd.s32 s3, s2  }
0x8d: {  	s2 =	sadd.s32 s2, s18  }
0x8e: {  	[smem:$0x3FC6] =	sst s2  }
0x8f: {  	_ = 	snop  }
0x90: {  	s2 =	sld [smem:$0x3FC9]  }
0x91: {  	s19 =	sld [smem:$0x3FC8]  }
0x92: {  	s4 =	sld [smem:$0x3FD0];
	(tm) =	ssettm $0x1  }
0x93: {  	s5 =	sld [smem:$0x3FFB];
	_ =	sdelay $0x3  }
0x94: {  	_ =	strace s5  }
0x95: {  	s5 =	sld [smem:$0x3FFC];
	_ =	sdelay $0x3  }
0x96: {  	_ =	strace s5  }
0x97: {  	s5 =	sld [smem:$0x3FFD];
	_ =	sdelay $0x3  }
0x98: {  	_ =	strace s5  }
0x99: {  	_ =	strace $0x8FFFFFFF  }
0x9a: {  	s20 =	sld [smem:$0x3FDB];
	_ =	sdelay $0x1  }
0x9b: {  	s6 =	simm.s32 $_scs_section_size  }
0x9c: {  	s7 =	simm.s32 $_size__tile_overlayer_lowered;
	s8 =	simm.s32 $_tile_overlayer_lowered  }
0x9d: {  	s23 =	simm.s32 $0x1BFF;
	s22 =	sshll.u32 s8, $0x1;
	s5 =	sadd.s32 s6, s20  }
0x9e: {  	s9 =	simm.s32 $0x0;
	s21 =	sshll.u32 s7, $0x1;
	s7 =	sadd.s32 s22, s5  }
0x9f: {  	[timem:s9], [sflag:s23] =	dma.local [hbm:s7], s21  }
0xa0: {  	_ =	swait.ge [sflag:s23], s21  }
0xa1: {  	s6 =	ssub.s32 $0x0, s21;
	[sflag:s23] =	ssyncset.done $0x0  }
0xa2: {  	[sflag:s23] =	ssyncadd.s32 s6;
	_ =	sdelay $0x1  }
0xa3: {  	s24 =	simm.s32 $0x1B8B  }
0xa4: {  	_ =	swait.ge [sflag:s24], $0x1  }
0xa5: {  	[sflag:s24] =	ssyncset.done $0x0  }
0xa6: {  	s25 =	simm.s32 $0x1B8E;
	[sflag:s24] =	ssyncadd.s32 $0xFFFFFFFF  }
0xa7: {  	s26 =	simm.s32 $execute0_lowered;
	[smem:$0x3FD2] =	sst s25  }
0xa8: {  	s6 =	sshll.u32 s26, $0x1;
	_ =	strace $0x80000046;
	[dreg:$0x1] =	wrdreg $0xFFFFFFFF  }
0xa9: {  	s28 =	simm.s32 $_size_execute0_lowered;
	s5 =	sadd.s32 s5, s6;
	[dreg:$0x0] =	wrdreg $0x0  }
0xaa: {  	s6 =	sshll.u32 s28, $0x1;
	[dreg:$0x2] =	wrdreg s5  }
0xab: {  	[dreg:$0x3] =	wrdreg s6  }
0xac: {  	[dreg:$0x4] =	wrdreg $0xC0  }
0xad: {  	_ =	task [dreg:s9], $0x5FFFF  }
0xae: {  	[dreg:$0x1] =	wrdreg $0xFFFFFFFF  }
0xaf: {  	[dreg:$0x0] =	wrdreg $0x60  }
0xb0: {  	[dreg:$0x2] =	wrdreg s2  }
0xb1: {  	[dreg:$0x3] =	wrdreg s19  }
0xb2: {  	[dreg:$0x4] =	wrdreg s4  }
0xb3: {  	[dreg:$0x5] =	wrdreg $0x9  }
0xb4: {  	_ =	task.clear_ibuf [dreg:s9], $0x6FFFF;
	_ =	strace $0x90000046  }
0xb5: {  	s29 =	simm.s32 $0x9;
	_ =	strace $0x80000048  }
0xb6: {  	_ =	swait.ge [sflag:s29], $0x1  }
0xb7: {  	[sflag:s29] =	ssyncadd.s32 $0xFFFFFFFF  }
0xb8: {  	_ =	strace $0x90000048  }
0xb9: {  	_ =	sfence  }
0xba: {  	s30 =	sld [smem:$0x0];
	_ =	sdelay $0x2  }
0xbb: {  	s31 =	sshll.u32 s1, $0xD;
	s1 =	sshrl.u32 s1, $0x2  }
0xbc: {  	s3 =	sand.u32 $0x4000, s31;
	s1 =	sadd.s32 s1, s30  }
0xbd: {  	s0 =	sor.u32 s3, s0;
	s1 =	sshll.u32 s1, $0x11  }
0xbe: {  	s0 =	sor.u32 s1, s0  }
0xbf: {  	s0 =	sadd.s32 $0x8F2B, s0  }
0xc0: {  	[sflag:s0] =	ssyncadd.remote.s32 $0x1  }
0xc1: {  	_ =	sfence.sel $0xFFFF  }
0xc2: {  	[dreg:$0x0] =	wrdreg $0xFFFFFFFF;
	(pc) =	sbr.abs _section_cstart, $3  }
0xc3: {  	[dreg:$0x1] =	wrdreg $0xFFFFFFFF  }
0xc4: {  	_ =	task.clear_ibuf [dreg:s9], $0x2FFFF;
	_ =	strace $0x9FFFFFFF  }
0xc5: {  	(tm) =	ssettm $0x7FFFFFFF  }
tec
execute0_lowered:
.L_overlay_start_1:
0x0: {  	(tag) =	ssettag $0x1  }
0x1: {  	s0 =	rddreg [dreg:$0x0]  }
0x2: {  	s1 =	srdreg.scid;
	s2 =	rddreg [dreg:$0x1]  }
0x3: {  	s3 =	stileid.u32;
	s17 =	rddreg [dreg:$0x2]  }
0x4: {  	s21 =	simm.s32 $0x2;
	s23 =	simm.s32 $0x880;
	s24 =	simm.s32 $0x1080  }
0x5: {  	s28 =	simm.s32 $0x2880;
	s29 =	simm.s32 $0x3080;
	s30 =	simm.s32 $0x3880  }
0x6: {  	s31 =	simm.s32 $0x4080;
	s1 =	sand.u32 $0x1, s1;
	s4 =	sshll.u32 s3, $0x6  }
0x7: {  	s3 =	simm.s32 $0x0;
	s6 =	sadd.s32 $0x300, s2;
	s7 =	sadd.s32 $0x400, s2  }
0x8: {  	s8 =	sadd.s32 $0x500, s2;
	s9 =	sadd.s32 $0x600, s2;
	s10 =	sadd.s32 $0x700, s2  }
0x9: {  	s11 =	sadd.s32 $0x800, s2;
	s12 =	sadd.s32 $0x900, s2;
	s13 =	sadd.s32 $0xA00, s2  }
0xa: {  	s14 =	sadd.s32 $0xB00, s2;
	s16 =	sadd.s32 $0xD00, s2;
	s18 =	sadd.s32 $0xE00, s2  }
0xb: {  	s19 =	sadd.s32 $0xF00, s2;
	s5 =	sshll.u32 s1, $0x5;
	[smem:$0x7FF] =	sst s3  }
0xc: {  	s1 =	ssub.s32 $0x2, s1;
	s15 =	sor.u32 s5, s4;
	_ =	strace $0x80000047  }
0xd: {  	s25 =	sshrl.u32 s1, $0x1;
	s5 =	sadd.s32 $0x200, s2;
	s4 =	sshrl.u32 s15, $0x3  }
0xe: {  	s1 =	ssub.s32 s1, s25;
	s26 =	sshll.u32 s15, $0x9;
	s15 =	sadd.s32 $0xC00, s2  }
0xf: {  	s25 =	simm.s32 $0x1880;
	s0 =	sadd.s32 s0, s4;
	s4 =	sadd.s32 $0x100, s2  }
0x10: {  	v2 =	vlaneseq.u32;
	s20 =	smax.u32 s1, $0x1;
	[dreg:$0x4] =	wrdreg s0;
	s0 =	sadd.s32 s17, s26  }
0x11: {  	vm0 =	vmmov $0xffff;
	v1 =	vshrl.u32 v2, $0x3;
	s1 =	simm.s32 $0x80;
	[dreg:$0x6] =	wrdreg s0;
	s0 =	sadd.s32 $0x2000, s0  }
0x12: {  	v0 =	vand.u32 $0x7, v2;
	v2 =	vor.u32 $0x8, v2;
	v1 =	vmul.u32 $0x8, v1;
	s26 =	simm.s32 $0x2080;
	[dreg:$0x5] =	wrdreg s0;
	s0 =	simm.s32 $0x1  }
.LBB2_1:
0x13: {  	s17 =	rddreg [dreg:$0x4]  }
0x14: {  	[tilespmem:s3], [sflag:$0x2] =	stream.linear.gather [hbm4b:s17+s3], $0x20, $0x38;
	[tilespmem:$0x10080] =	vst v63  }
0x15: {  	_ =	swait.ge [sflag:s21], $0x20  }
0x16: {  	[sflag:s21] =	ssyncset.done $0x0  }
0x17: {  	[sflag:s21] =	ssyncadd.s32 $0xFFFFFFE0  }
0x18: {  	v3 =	vld [tilespmem:$0x0];
	_ =	sdelay $0x4  }
0x19: {  	v4 =	vshll.u32 v3, $0x5  }
0x1a: {  	v3 =	vand.u32 $0x7, v3;
	v4 =	vand.u32 $0xFFFFFF00, v4  }
0x1b: {  	v3 =	vor.u32 v3, v4  }
0x1c: {  	v4 =	vperm.xlane v3, v0;
	_ =	sdelay $0x1  }
0x1d: {  	v4 =	vadd.s32 v1, v4;
	_ =	sdelay $0x3  }
0x1e: {  	s22 =	rddreg [dreg:$0x1]  }
0x1f: {  	[tilespmem:s1], [sflag:$0x1] =	stream.indirect_vreg.gather [hbm4b:s22+s3], $0x80, v4, vm0, $0xb8;
	[tilespmem:$0x10080] =	vst v63  }
0x20: {  	_ = 	snop  }
0x21: {  	[tilespmem:s23], [sflag:$0x1] =	stream.indirect_vreg.gather [hbm4b:s4+s3], $0x80, v4, vm0, $0xb8;
	[tilespmem:$0x10080] =	vst v63  }
0x22: {  	_ = 	snop  }
0x23: {  	[tilespmem:s24], [sflag:$0x1] =	stream.indirect_vreg.gather [hbm4b:s5+s3], $0x80, v4, vm0, $0xb8;
	[tilespmem:$0x10080] =	vst v63  }
0x24: {  	_ = 	snop  }
0x25: {  	[tilespmem:s25], [sflag:$0x1] =	stream.indirect_vreg.gather [hbm4b:s6+s3], $0x80, v4, vm0, $0xb8;
	[tilespmem:$0x10080] =	vst v63  }
0x26: {  	_ = 	snop  }
0x27: {  	[tilespmem:s26], [sflag:$0x1] =	stream.indirect_vreg.gather [hbm4b:s7+s3], $0x80, v4, vm0, $0xb8;
	[tilespmem:$0x10080] =	vst v63  }
0x28: {  	_ = 	snop  }
0x29: {  	[tilespmem:s28], [sflag:$0x1] =	stream.indirect_vreg.gather [hbm4b:s8+s3], $0x80, v4, vm0, $0xb8;
	[tilespmem:$0x10080] =	vst v63  }
0x2a: {  	_ = 	snop  }
0x2b: {  	[tilespmem:s29], [sflag:$0x1] =	stream.indirect_vreg.gather [hbm4b:s9+s3], $0x80, v4, vm0, $0xb8;
	[tilespmem:$0x10080] =	vst v63  }
0x2c: {  	_ = 	snop  }
0x2d: {  	[tilespmem:s30], [sflag:$0x1] =	stream.indirect_vreg.gather [hbm4b:s10+s3], $0x80, v4, vm0, $0xb8;
	[tilespmem:$0x10080] =	vst v63  }
0x2e: {  	_ = 	snop  }
0x2f: {  	[tilespmem:s31], [sflag:$0x1] =	stream.indirect_vreg.gather [hbm4b:s11+s3], $0x80, v4, vm0, $0xb8;
	[tilespmem:$0x10080] =	vst v63  }
0x30: {  	s2 =	simm.s32 $0x4880  }
0x31: {  	[tilespmem:s2], [sflag:$0x1] =	stream.indirect_vreg.gather [hbm4b:s12+s3], $0x80, v4, vm0, $0xb8;
	[tilespmem:$0x10080] =	vst v63  }
0x32: {  	s2 =	simm.s32 $0x5080  }
0x33: {  	[tilespmem:s2], [sflag:$0x1] =	stream.indirect_vreg.gather [hbm4b:s13+s3], $0x80, v4, vm0, $0xb8;
	[tilespmem:$0x10080] =	vst v63  }
0x34: {  	s17 =	simm.s32 $0x5880  }
0x35: {  	[tilespmem:s17], [sflag:$0x1] =	stream.indirect_vreg.gather [hbm4b:s14+s3], $0x80, v4, vm0, $0xb8;
	[tilespmem:$0x10080] =	vst v63  }
0x36: {  	s17 =	simm.s32 $0x6080  }
0x37: {  	[tilespmem:s17], [sflag:$0x1] =	stream.indirect_vreg.gather [hbm4b:s15+s3], $0x80, v4, vm0, $0xb8;
	[tilespmem:$0x10080] =	vst v63  }
0x38: {  	v3 =	vperm.xlane v3, v2;
	s17 =	simm.s32 $0x6880  }
0x39: {  	[tilespmem:s17], [sflag:$0x1] =	stream.indirect_vreg.gather [hbm4b:s16+s3], $0x80, v4, vm0, $0xb8;
	[tilespmem:$0x10080] =	vst v63  }
0x3a: {  	v3 =	vadd.s32 v1, v3;
	s17 =	simm.s32 $0x7080  }
0x3b: {  	[tilespmem:s17], [sflag:$0x1] =	stream.indirect_vreg.gather [hbm4b:s18+s3], $0x80, v4, vm0, $0xb8;
	[tilespmem:$0x10080] =	vst v63  }
0x3c: {  	s17 =	simm.s32 $0x7880  }
0x3d: {  	[tilespmem:s17], [sflag:$0x1] =	stream.indirect_vreg.gather [hbm4b:s19+s3], $0x80, v4, vm0, $0xb8;
	[tilespmem:$0x10080] =	vst v63  }
0x3e: {  	s17 =	simm.s32 $0x8080  }
0x3f: {  	[tilespmem:s17], [sflag:$0x1] =	stream.indirect_vreg.gather [hbm4b:s22+s3], $0x80, v3, vm0, $0xb8;
	[tilespmem:$0x10080] =	vst v63  }
0x40: {  	s17 =	simm.s32 $0x8880  }
0x41: {  	[tilespmem:s17], [sflag:$0x1] =	stream.indirect_vreg.gather [hbm4b:s4+s3], $0x80, v3, vm0, $0xb8;
	[tilespmem:$0x10080] =	vst v63  }
0x42: {  	s17 =	simm.s32 $0x9080  }
0x43: {  	[tilespmem:s17], [sflag:$0x1] =	stream.indirect_vreg.gather [hbm4b:s5+s3], $0x80, v3, vm0, $0xb8;
	[tilespmem:$0x10080] =	vst v63  }
0x44: {  	s17 =	simm.s32 $0x9880  }
0x45: {  	[tilespmem:s17], [sflag:$0x1] =	stream.indirect_vreg.gather [hbm4b:s6+s3], $0x80, v3, vm0, $0xb8;
	[tilespmem:$0x10080] =	vst v63  }
0x46: {  	s17 =	simm.s32 $0xA080  }
0x47: {  	[tilespmem:s17], [sflag:$0x1] =	stream.indirect_vreg.gather [hbm4b:s7+s3], $0x80, v3, vm0, $0xb8;
	[tilespmem:$0x10080] =	vst v63  }
0x48: {  	s17 =	simm.s32 $0xA880  }
0x49: {  	[tilespmem:s17], [sflag:$0x1] =	stream.indirect_vreg.gather [hbm4b:s8+s3], $0x80, v3, vm0, $0xb8;
	[tilespmem:$0x10080] =	vst v63  }
0x4a: {  	s17 =	simm.s32 $0xB080  }
0x4b: {  	[tilespmem:s17], [sflag:$0x1] =	stream.indirect_vreg.gather [hbm4b:s9+s3], $0x80, v3, vm0, $0xb8;
	[tilespmem:$0x10080] =	vst v63  }
0x4c: {  	s17 =	simm.s32 $0xB880  }
0x4d: {  	[tilespmem:s17], [sflag:$0x1] =	stream.indirect_vreg.gather [hbm4b:s10+s3], $0x80, v3, vm0, $0xb8;
	[tilespmem:$0x10080] =	vst v63  }
0x4e: {  	s17 =	simm.s32 $0xC080  }
0x4f: {  	[tilespmem:s17], [sflag:$0x1] =	stream.indirect_vreg.gather [hbm4b:s11+s3], $0x80, v3, vm0, $0xb8;
	[tilespmem:$0x10080] =	vst v63  }
0x50: {  	s17 =	simm.s32 $0xC880  }
0x51: {  	[tilespmem:s17], [sflag:$0x1] =	stream.indirect_vreg.gather [hbm4b:s12+s3], $0x80, v3, vm0, $0xb8;
	[tilespmem:$0x10080] =	vst v63  }
0x52: {  	s17 =	simm.s32 $0xD080  }
0x53: {  	[tilespmem:s17], [sflag:$0x1] =	stream.indirect_vreg.gather [hbm4b:s13+s3], $0x80, v3, vm0, $0xb8;
	[tilespmem:$0x10080] =	vst v63  }
0x54: {  	s17 =	simm.s32 $0xD880  }
0x55: {  	[tilespmem:s17], [sflag:$0x1] =	stream.indirect_vreg.gather [hbm4b:s14+s3], $0x80, v3, vm0, $0xb8;
	[tilespmem:$0x10080] =	vst v63  }
0x56: {  	s17 =	simm.s32 $0xE080  }
0x57: {  	[tilespmem:s17], [sflag:$0x1] =	stream.indirect_vreg.gather [hbm4b:s15+s3], $0x80, v3, vm0, $0xb8;
	[tilespmem:$0x10080] =	vst v63  }
0x58: {  	s17 =	simm.s32 $0xE880  }
0x59: {  	[tilespmem:s17], [sflag:$0x1] =	stream.indirect_vreg.gather [hbm4b:s16+s3], $0x80, v3, vm0, $0xb8;
	[tilespmem:$0x10080] =	vst v63  }
0x5a: {  	s17 =	simm.s32 $0xF080  }
0x5b: {  	[tilespmem:s17], [sflag:$0x1] =	stream.indirect_vreg.gather [hbm4b:s18+s3], $0x80, v3, vm0, $0xb8;
	[tilespmem:$0x10080] =	vst v63  }
0x5c: {  	s17 =	simm.s32 $0xF880  }
0x5d: {  	[tilespmem:s17], [sflag:$0x1] =	stream.indirect_vreg.gather [hbm4b:s19+s3], $0x80, v3, vm0, $0xb8;
	[tilespmem:$0x10080] =	vst v63  }
0x5e: {  	_ =	swait.ge [sflag:s0], $0x10000  }
0x5f: {  	[sflag:s0] =	ssyncset.done $0x0  }
0x60: {  	s17 =	rddreg [dreg:$0x6];
	[sflag:s0] =	ssyncadd.s32 $0xFFFF0000  }
0x61: {  	[hbm4b:s17+s3] =	stream.linear.scatter [tilespmem:s1], [sflag:$0x2], $0x10000, $0x38;
	[tilespmem:$0x10080] =	vst v63  }
0x62: {  	_ =	swait.ge [sflag:s21], $0x10000  }
0x63: {  	[sflag:s21] =	ssyncset.done $0x0  }
0x64: {  	[sflag:s21] =	ssyncadd.s32 $0xFFFF0000  }
0x65: {  	v3 =	vld [tilespmem:$0x10];
	_ =	sdelay $0x4  }
0x66: {  	v63 =	vshll.u32 v3, $0x5  }
0x67: {  	v3 =	vand.u32 $0x7, v3;
	v4 =	vand.u32 $0xFFFFFF00, v63  }
0x68: {  	v3 =	vor.u32 v3, v4  }
0x69: {  	v4 =	vperm.xlane v3, v0;
	_ =	sdelay $0x1  }
0x6a: {  	v4 =	vadd.s32 v1, v4;
	_ =	sdelay $0x4  }
0x6b: {  	[tilespmem:s1], [sflag:$0x1] =	stream.indirect_vreg.gather [hbm4b:s22+s3], $0x80, v4, vm0, $0xb8;
	[tilespmem:$0x10080] =	vst v63  }
0x6c: {  	_ = 	snop  }
0x6d: {  	[tilespmem:s23], [sflag:$0x1] =	stream.indirect_vreg.gather [hbm4b:s4+s3], $0x80, v4, vm0, $0xb8;
	[tilespmem:$0x10080] =	vst v63  }
0x6e: {  	_ = 	snop  }
0x6f: {  	[tilespmem:s24], [sflag:$0x1] =	stream.indirect_vreg.gather [hbm4b:s5+s3], $0x80, v4, vm0, $0xb8;
	[tilespmem:$0x10080] =	vst v63  }
0x70: {  	_ = 	snop  }
0x71: {  	[tilespmem:s25], [sflag:$0x1] =	stream.indirect_vreg.gather [hbm4b:s6+s3], $0x80, v4, vm0, $0xb8;
	[tilespmem:$0x10080] =	vst v63  }
0x72: {  	_ = 	snop  }
0x73: {  	[tilespmem:s26], [sflag:$0x1] =	stream.indirect_vreg.gather [hbm4b:s7+s3], $0x80, v4, vm0, $0xb8;
	[tilespmem:$0x10080] =	vst v63  }
0x74: {  	_ = 	snop  }
0x75: {  	[tilespmem:s28], [sflag:$0x1] =	stream.indirect_vreg.gather [hbm4b:s8+s3], $0x80, v4, vm0, $0xb8;
	[tilespmem:$0x10080] =	vst v63  }
0x76: {  	_ = 	snop  }
0x77: {  	[tilespmem:s29], [sflag:$0x1] =	stream.indirect_vreg.gather [hbm4b:s9+s3], $0x80, v4, vm0, $0xb8;
	[tilespmem:$0x10080] =	vst v63  }
0x78: {  	_ = 	snop  }
0x79: {  	[tilespmem:s30], [sflag:$0x1] =	stream.indirect_vreg.gather [hbm4b:s10+s3], $0x80, v4, vm0, $0xb8;
	[tilespmem:$0x10080] =	vst v63  }
0x7a: {  	_ = 	snop  }
0x7b: {  	[tilespmem:s31], [sflag:$0x1] =	stream.indirect_vreg.gather [hbm4b:s11+s3], $0x80, v4, vm0, $0xb8;
	[tilespmem:$0x10080] =	vst v63  }
0x7c: {  	s17 =	simm.s32 $0x4880  }
0x7d: {  	[tilespmem:s17], [sflag:$0x1] =	stream.indirect_vreg.gather [hbm4b:s12+s3], $0x80, v4, vm0, $0xb8;
	[tilespmem:$0x10080] =	vst v63  }
0x7e: {  	_ = 	snop  }
0x7f: {  	[tilespmem:s2], [sflag:$0x1] =	stream.indirect_vreg.gather [hbm4b:s13+s3], $0x80, v4, vm0, $0xb8;
	[tilespmem:$0x10080] =	vst v63  }
0x80: {  	s17 =	simm.s32 $0x5880  }
0x81: {  	[tilespmem:s17], [sflag:$0x1] =	stream.indirect_vreg.gather [hbm4b:s14+s3], $0x80, v4, vm0, $0xb8;
	[tilespmem:$0x10080] =	vst v63  }
0x82: {  	s17 =	simm.s32 $0x6080  }
0x83: {  	[tilespmem:s17], [sflag:$0x1] =	stream.indirect_vreg.gather [hbm4b:s15+s3], $0x80, v4, vm0, $0xb8;
	[tilespmem:$0x10080] =	vst v63  }
0x84: {  	v3 =	vperm.xlane v3, v2;
	s17 =	simm.s32 $0x6880  }
0x85: {  	[tilespmem:s17], [sflag:$0x1] =	stream.indirect_vreg.gather [hbm4b:s16+s3], $0x80, v4, vm0, $0xb8;
	[tilespmem:$0x10080] =	vst v63  }
0x86: {  	v3 =	vadd.s32 v1, v3;
	s17 =	simm.s32 $0x7080  }
0x87: {  	[tilespmem:s17], [sflag:$0x1] =	stream.indirect_vreg.gather [hbm4b:s18+s3], $0x80, v4, vm0, $0xb8;
	[tilespmem:$0x10080] =	vst v63  }
0x88: {  	s17 =	simm.s32 $0x7880  }
0x89: {  	[tilespmem:s17], [sflag:$0x1] =	stream.indirect_vreg.gather [hbm4b:s19+s3], $0x80, v4, vm0, $0xb8;
	[tilespmem:$0x10080] =	vst v63  }
0x8a: {  	s17 =	simm.s32 $0x8080  }
0x8b: {  	[tilespmem:s17], [sflag:$0x1] =	stream.indirect_vreg.gather [hbm4b:s22+s3], $0x80, v3, vm0, $0xb8;
	[tilespmem:$0x10080] =	vst v63  }
0x8c: {  	s17 =	simm.s32 $0x8880  }
0x8d: {  	[tilespmem:s17], [sflag:$0x1] =	stream.indirect_vreg.gather [hbm4b:s4+s3], $0x80, v3, vm0, $0xb8;
	[tilespmem:$0x10080] =	vst v63  }
0x8e: {  	s22 =	simm.s32 $0x9080  }
0x8f: {  	[tilespmem:s22], [sflag:$0x1] =	stream.indirect_vreg.gather [hbm4b:s5+s3], $0x80, v3, vm0, $0xb8;
	[tilespmem:$0x10080] =	vst v63  }
0x90: {  	s17 =	simm.s32 $0x9880  }
0x91: {  	[tilespmem:s17], [sflag:$0x1] =	stream.indirect_vreg.gather [hbm4b:s6+s3], $0x80, v3, vm0, $0xb8;
	[tilespmem:$0x10080] =	vst v63  }
0x92: {  	s22 =	simm.s32 $0xA080  }
0x93: {  	[tilespmem:s22], [sflag:$0x1] =	stream.indirect_vreg.gather [hbm4b:s7+s3], $0x80, v3, vm0, $0xb8;
	[tilespmem:$0x10080] =	vst v63  }
0x94: {  	s17 =	simm.s32 $0xA880  }
0x95: {  	[tilespmem:s17], [sflag:$0x1] =	stream.indirect_vreg.gather [hbm4b:s8+s3], $0x80, v3, vm0, $0xb8;
	[tilespmem:$0x10080] =	vst v63  }
0x96: {  	s22 =	simm.s32 $0xB080  }
0x97: {  	[tilespmem:s22], [sflag:$0x1] =	stream.indirect_vreg.gather [hbm4b:s9+s3], $0x80, v3, vm0, $0xb8;
	[tilespmem:$0x10080] =	vst v63  }
0x98: {  	s17 =	simm.s32 $0xB880  }
0x99: {  	[tilespmem:s17], [sflag:$0x1] =	stream.indirect_vreg.gather [hbm4b:s10+s3], $0x80, v3, vm0, $0xb8;
	[tilespmem:$0x10080] =	vst v63  }
0x9a: {  	s22 =	simm.s32 $0xC080  }
0x9b: {  	[tilespmem:s22], [sflag:$0x1] =	stream.indirect_vreg.gather [hbm4b:s11+s3], $0x80, v3, vm0, $0xb8;
	[tilespmem:$0x10080] =	vst v63  }
0x9c: {  	s17 =	simm.s32 $0xC880  }
0x9d: {  	[tilespmem:s17], [sflag:$0x1] =	stream.indirect_vreg.gather [hbm4b:s12+s3], $0x80, v3, vm0, $0xb8;
	[tilespmem:$0x10080] =	vst v63  }
0x9e: {  	s22 =	simm.s32 $0xD080  }
0x9f: {  	[tilespmem:s22], [sflag:$0x1] =	stream.indirect_vreg.gather [hbm4b:s13+s3], $0x80, v3, vm0, $0xb8;
	[tilespmem:$0x10080] =	vst v63  }
0xa0: {  	s17 =	simm.s32 $0xD880  }
0xa1: {  	[tilespmem:s17], [sflag:$0x1] =	stream.indirect_vreg.gather [hbm4b:s14+s3], $0x80, v3, vm0, $0xb8;
	[tilespmem:$0x10080] =	vst v63  }
0xa2: {  	s22 =	simm.s32 $0xE080  }
0xa3: {  	[tilespmem:s22], [sflag:$0x1] =	stream.indirect_vreg.gather [hbm4b:s15+s3], $0x80, v3, vm0, $0xb8;
	[tilespmem:$0x10080] =	vst v63  }
0xa4: {  	s17 =	simm.s32 $0xE880  }
0xa5: {  	[tilespmem:s17], [sflag:$0x1] =	stream.indirect_vreg.gather [hbm4b:s16+s3], $0x80, v3, vm0, $0xb8;
	[tilespmem:$0x10080] =	vst v63  }
0xa6: {  	s22 =	simm.s32 $0xF080  }
0xa7: {  	[tilespmem:s22], [sflag:$0x1] =	stream.indirect_vreg.gather [hbm4b:s18+s3], $0x80, v3, vm0, $0xb8;
	[tilespmem:$0x10080] =	vst v63  }
0xa8: {  	s17 =	simm.s32 $0xF880  }
0xa9: {  	[tilespmem:s17], [sflag:$0x1] =	stream.indirect_vreg.gather [hbm4b:s19+s3], $0x80, v3, vm0, $0xb8;
	[tilespmem:$0x10080] =	vst v63  }
0xaa: {  	_ =	swait.ge [sflag:s0], $0x10000  }
0xab: {  	p0 =	sne.s32 s20, $0x1;
	[sflag:s0] =	ssyncset.done $0x0  }
.Ltmp0:
0xac: {  	s22 =	rddreg [dreg:$0x5];
	[sflag:s0] =	ssyncadd.s32 $0xFFFF0000;
	(pc) =	sbr.rel @p0 .LBB2_1-.Ltmp0, $4  }
0xad: {  	[hbm4b:s22+s3] =	stream.linear.scatter [tilespmem:s1], [sflag:$0x2], $0x10000, $0x38;
	[tilespmem:$0x10080] =	vst v63  }
0xae: {  	_ =	swait.ge [sflag:s21], $0x10000  }
0xaf: {  	[sflag:s21] =	ssyncset.done $0x0  }
0xb0: {  	s20 =	sadd.s32 $0xFFFFFFFF, s20;
	[sflag:s21] =	ssyncadd.s32 $0xFFFF0000  }
0xb1: {  	_ =	sfence.sel $0x180000  }
0xb2: {  	[bflag:$0x0] =	sbarrier.arrive $0xFFFF  }
0xb3: {  	_ =	strace $0x90000047  }
0xb4: {  	s0 =	stileid.u32;
	[bflag:$0x2] =	sbarrier.arrive $0xFFFF  }
0xb5: {  	p0 =	sne.s32 s0, $0x0;
	s0 =	rddreg [dreg:$0x3]  }
0xb6: {  	s0 =	sadd.s32 @!p0 $0x100000, s0  }
0xb7: {  	[sflag:s0] =	ssyncadd.tile.s32 @!p0 $0x1;
	_ =	shalt  }
.Lfunc_end2:
_tile_overlayer_lowered:
.L_overlay_start_2:
0xb8: {  	(tag) =	ssettag $0x2  }
0xb9: {  	s0 =	rddreg [dreg:$0x0];
	s2 =	stileid.u32  }
0xba: {  	s1 =	rddreg [dreg:$0x1];
	p0 =	sne.s32 s2, $0x0  }
0xbb: {  	s3 =	rddreg [dreg:$0x2];
	[bflag:$0x3] =	sbarrier.arrive $0xFFFF;
	s2 =	simm.s32 @!p0 $0x1C02  }
0xbc: {  	[timem:s3], [sflag:s2] =	dma.local @!p0 [hbm:s0], s1  }
0xbd: {  	s0 =	simm.s32 @!p0 $0x2  }
0xbe: {  	_ =	swait.ge @!p0 [sflag:s0], s1  }
0xbf: {  	s1 =	ssub.s32 @!p0 $0x0, s1;
	[sflag:s0] =	ssyncset.done @!p0 $0x0  }
0xc0: {  	[sflag:s0] =	ssyncadd.s32 @!p0 s1  }
0xc1: {  	[bflag:$0x3] =	sbarrier.arrive $0xFFFF  }
0xc2: {  	_ =	shalt  }

</sc_bundles>
